<compile_context>
chip_gen: v7x
topology: tpu7x:2x2x1
jax: 0.10.2.dev20260603
libtpu: 0.0.44.dev20260713+nightly
codegen_flags: <defaults>
</compile_context>

<pallas_src>
import jax
import jax.numpy as jnp
from jax import lax
from jax.experimental import pallas as pl
from jax.experimental.pallas import tpu as pltpu
from jax.experimental.pallas import tpu_sc as plsc

N_NODES_ = 10000
N_EDGES_ = 320000
D_ = 128

_info = plsc.get_sparse_core_info()
NC = _info.num_cores
NS = _info.num_subcores
NW = NC * NS

E_PER_W = N_EDGES_ // NW
CHUNK = 80
N_CHUNKS = E_PER_W // CHUNK
SUPER = 2 * CHUNK
N_SUPER = N_CHUNKS // 2
ROWS_PER_TILE = 624
ROWS_REMAINDER = N_NODES_ - NS * ROWS_PER_TILE


def _gather_body(idx_hbm, x_hbm, out_hbm, idx_all, table_s, rows_v,
                 sem_g, sem_o, sem_s):
    sid = lax.axis_index("s")
    wid = sid * NC + lax.axis_index("c")
    base = wid * E_PER_W

    stage_t = pltpu.make_async_copy(
        x_hbm.at[pl.ds(sid * ROWS_PER_TILE, ROWS_PER_TILE)],
        table_s.at[pl.ds(sid * ROWS_PER_TILE, ROWS_PER_TILE)], sem_s[0])
    stage_i = pltpu.make_async_copy(
        idx_hbm.at[pl.ds(base, E_PER_W)], idx_all, sem_s[1])
    stage_t.start()
    stage_i.start()

    @pl.when(sid == 0)
    def _():
        tail = NS * ROWS_PER_TILE
        pltpu.sync_copy(x_hbm.at[pl.ds(tail, ROWS_REMAINDER)],
                        table_s.at[pl.ds(tail, ROWS_REMAINDER)])

    stage_t.wait()
    stage_i.wait()
    plsc.subcore_barrier()

    def gather(g, s, sub):
        return pltpu.make_async_copy(
            table_s.at[idx_all.at[pl.ds(g * CHUNK, CHUNK)]],
            rows_v[s].at[pl.ds(sub * CHUNK, CHUNK)], sem_g[2 * s + sub])

    def store_super(S, s):
        return pltpu.make_async_copy(
            rows_v[s], out_hbm.at[pl.ds(base + S * SUPER, SUPER)], sem_o[s])

    def step(S, s, S_pos2):
        ps = 1 - s

        @pl.when(S_pos2)
        def _():
            store_super(S, s).wait()

        gather(2 * S, s, 0).start()
        gather(2 * S + 1, s, 1).start()

        @pl.when(S > 0)
        def _():
            gather(2 * S - 2, ps, 0).wait()
            gather(2 * S - 1, ps, 1).wait()
            store_super(S - 1, ps).start()

    def pair(i, carry):
        step(2 * i, 0, i > 0)
        step(2 * i + 1, 1, i > 0)
        return carry

    lax.fori_loop(0, N_SUPER // 2, pair, 0)

    lastS = N_SUPER - 1
    gather(2 * lastS, 1, 0).wait()
    gather(2 * lastS + 1, 1, 1).wait()
    store_super(lastS, 1).start()

    g = N_CHUNKS - 1
    store_super(lastS - 1, 0).wait()
    gather(g, 0, 0).start()
    gather(g, 0, 0).wait()
    tail_store = pltpu.make_async_copy(
        rows_v[0].at[pl.ds(0, CHUNK)],
        out_hbm.at[pl.ds(base + g * CHUNK, CHUNK)], sem_o[0])
    tail_store.start()
    store_super(lastS, 1).wait()
    tail_store.wait()


@jax.jit
def kernel(x, edge_index):
    idx = edge_index[1]
    mesh = plsc.VectorSubcoreMesh(core_axis_name="c", subcore_axis_name="s")
    run = pl.kernel(
        _gather_body,
        out_type=jax.ShapeDtypeStruct((N_EDGES_, D_), jnp.float32),
        mesh=mesh,
        scratch_types=[
            pltpu.VMEM((E_PER_W,), jnp.int32),
            pltpu.VMEM_SHARED((N_NODES_, D_), jnp.float32),
            tuple(pltpu.VMEM((SUPER, D_), jnp.float32) for _ in range(2)),
            tuple(pltpu.SemaphoreType.DMA for _ in range(4)),
            tuple(pltpu.SemaphoreType.DMA for _ in range(2)),
            tuple(pltpu.SemaphoreType.DMA for _ in range(2)),
        ],
    )
    return run(idx, x)

# --- scband reference (transcript-rebuilt; emitter-appended) ---
"""Pipeline reference for scband-message-passing-custom-32933809225901 (READ-ONLY COPY).

The authoritative reference and input builder live on the scoring server;
editing this copy changes nothing except your own understanding.
"""

import jax, jax.numpy as jnp
import numpy as np

N_NODES = 10000
N_EDGES = 320000
D_FEAT = 128


def setup_inputs(seed: int = 0) -> dict:
    key = jax.random.key(seed)
    k1, k2 = jax.random.split(key)
    x = jax.random.normal(k1, (N_NODES, D_FEAT), dtype=jnp.float32)
    edge_index = jax.random.randint(k2, (2, N_EDGES), 0, N_NODES, dtype=jnp.int32)
    return {"x": x, "edge_index": edge_index}


def reference(x, edge_index):
    # MessagePassing_custom.propagate with default message(x_j)/update(aggr_out):
    # message_args = ['x_j'] -> gather x rows at edge_index[1]
    # message(x_j) = x_j; update(out) = out; aggr='add' is never actually applied
    # (this base class only gathers; aggregation happens in subclasses' scatter).
    x_j = jnp.take(x, edge_index[1], axis=0)  # [E, d_feat] gather
    return x_j

if __name__ == "__main__":
    import jax
    _d = setup_inputs()
    print(jax.jit(kernel)(*tuple(_d.values())))

</pallas_src>

<mosaic_0001>
#map = affine_map<(d0, d1) -> (0)>
#map1 = affine_map<(d0, d1) -> (0, 0)>
module attributes {stable_mosaic.version = 14 : i64} {
  func.func @_gather_body(%arg0: i32, %arg1: i32, %arg2: memref<320000xi32, #tpu.memory_space<hbm>>, %arg3: memref<10000x128xf32, #tpu.memory_space<hbm>>, %arg4: memref<320000x128xf32, #tpu.memory_space<hbm>>, %arg5: memref<10000xi32, #tpu.memory_space<vmem>>, %arg6: memref<10000x128xf32, #tpu.memory_space<vmem_shared>>, %arg7: memref<160x128xf32, #tpu.memory_space<vmem>>, %arg8: memref<160x128xf32, #tpu.memory_space<vmem>>, %arg9: memref<!tpu.dma_semaphore, #tpu.memory_space<semaphore_mem>>, %arg10: memref<!tpu.dma_semaphore, #tpu.memory_space<semaphore_mem>>, %arg11: memref<!tpu.dma_semaphore, #tpu.memory_space<semaphore_mem>>, %arg12: memref<!tpu.dma_semaphore, #tpu.memory_space<semaphore_mem>>, %arg13: memref<!tpu.dma_semaphore, #tpu.memory_space<semaphore_mem>>, %arg14: memref<!tpu.dma_semaphore, #tpu.memory_space<semaphore_mem>>, %arg15: memref<!tpu.dma_semaphore, #tpu.memory_space<semaphore_mem>>, %arg16: memref<!tpu.dma_semaphore, #tpu.memory_space<semaphore_mem>>) attributes {dimension_semantics = [#tpu.dimension_semantics<core_parallel>, #tpu.dimension_semantics<subcore_parallel>], iteration_bounds = array<i64: 2, 16>, scalar_prefetch = 0 : i64, scratch_operands = 12 : i64, tpu.core_type = #tpu.core_type<sc_vector_subcore>, window_params = [{transform_indices = #map}, {transform_indices = #map1}, {transform_indices = #map1}]} {
    %mul3A = arith.constant 2 : i32
    %mul3A_0 = arith.muli %arg1, %mul3A : i32
    %add3A = arith.addi %mul3A_0, %arg0 : i32
    %mul3A_1 = arith.constant 10000 : i32
    %mul3A_2 = arith.muli %add3A, %mul3A_1 : i32
    %mul3A_3 = arith.constant 624 : i32
    %mul3A_4 = arith.muli %arg1, %mul3A_3 : i32
    %mul3A_5 = arith.constant 624 : i32
    %mul3A_6 = arith.muli %arg1, %mul3A_5 : i32
    %dma_start3A = arith.constant 0 : i32
    %dma_start3A_7 = tpu.memref_slice %arg6[%mul3A_6, %dma_start3A] : memref<10000x128xf32, #tpu.memory_space<vmem_shared>> -> memref<624x128xf32, #tpu.memory_space<vmem_shared>>
    %dma_start3A_8 = arith.constant 0 : i32
    %dma_start3A_9 = tpu.memref_slice %arg3[%mul3A_4, %dma_start3A_8] : memref<10000x128xf32, #tpu.memory_space<hbm>> -> memref<624x128xf32, #tpu.memory_space<hbm>>
    tpu.enqueue_dma source(%dma_start3A_9 : memref<624x128xf32, #tpu.memory_space<hbm>>) target(%dma_start3A_7 : memref<624x128xf32, #tpu.memory_space<vmem_shared>>) target_semaphore(%arg15 : memref<!tpu.dma_semaphore, #tpu.memory_space<semaphore_mem>>)
    %dma_start3A_10 = tpu.memref_slice %arg2[%mul3A_2] : memref<320000xi32, #tpu.memory_space<hbm>> -> memref<10000xi32, #tpu.memory_space<hbm>>
    %dma_start3A_11 = tpu.memref_slice %arg2[%mul3A_2] : memref<320000xi32, #tpu.memory_space<hbm>> -> memref<10000xi32, #tpu.memory_space<hbm>>
    tpu.enqueue_dma source(%dma_start3A_11 : memref<10000xi32, #tpu.memory_space<hbm>>) target(%arg5 : memref<10000xi32, #tpu.memory_space<vmem>>) target_semaphore(%arg16 : memref<!tpu.dma_semaphore, #tpu.memory_space<semaphore_mem>>)
    %eq3A = arith.constant 0 : i32
    %eq3A_12 = arith.cmpi eq, %arg1, %eq3A : i32
    %convert_element_type3A = arith.extui %eq3A_12 : i1 to i32
    %cond3A = arith.constant 0 : i32
    %cond3A_13 = arith.cmpi ne, %convert_element_type3A, %cond3A : i32
    scf.if %cond3A_13 {
      "tpu.region"() ({
        %run_scoped3A = tpu.sem_alloc : memref<!tpu.dma_semaphore, #tpu.memory_space<semaphore_mem>>
        %dma_start3A_96 = arith.constant 9984 : i32
        %dma_start3A_97 = arith.constant 0 : i32
        %dma_start3A_98 = tpu.memref_slice %arg6[%dma_start3A_96, %dma_start3A_97] : memref<10000x128xf32, #tpu.memory_space<vmem_shared>> -> memref<16x128xf32, #tpu.memory_space<vmem_shared>>
        %dma_start3A_99 = arith.constant 9984 : i32
        %dma_start3A_100 = arith.constant 0 : i32
        %dma_start3A_101 = tpu.memref_slice %arg3[%dma_start3A_99, %dma_start3A_100] : memref<10000x128xf32, #tpu.memory_space<hbm>> -> memref<16x128xf32, #tpu.memory_space<hbm>>
        tpu.enqueue_dma source(%dma_start3A_101 : memref<16x128xf32, #tpu.memory_space<hbm>>) target(%dma_start3A_98 : memref<16x128xf32, #tpu.memory_space<vmem_shared>>) target_semaphore(%run_scoped3A : memref<!tpu.dma_semaphore, #tpu.memory_space<semaphore_mem>>)
        %dma_wait3A_102 = arith.constant 9984 : i32
        %dma_wait3A_103 = arith.constant 0 : i32
        %dma_wait3A_104 = tpu.memref_slice %arg6[%dma_wait3A_102, %dma_wait3A_103] : memref<10000x128xf32, #tpu.memory_space<vmem_shared>> -> memref<16x128xf32, #tpu.memory_space<vmem_shared>>
        %dma_wait3A_105 = arith.constant 9984 : i32
        %dma_wait3A_106 = arith.constant 0 : i32
        %dma_wait3A_107 = tpu.memref_slice %arg3[%dma_wait3A_105, %dma_wait3A_106] : memref<10000x128xf32, #tpu.memory_space<hbm>> -> memref<16x128xf32, #tpu.memory_space<hbm>>
        tpu.wait_dma2 semaphore(%run_scoped3A : memref<!tpu.dma_semaphore, #tpu.memory_space<semaphore_mem>>) src(%dma_wait3A_107 : memref<16x128xf32, #tpu.memory_space<hbm>>) dst(%dma_wait3A_104 : memref<16x128xf32, #tpu.memory_space<vmem_shared>>)
        tpu.yield
      }) : () -> ()
    } else {
    }
    %dma_wait3A = arith.constant 0 : i32
    %dma_wait3A_14 = tpu.memref_slice %arg6[%mul3A_6, %dma_wait3A] : memref<10000x128xf32, #tpu.memory_space<vmem_shared>> -> memref<624x128xf32, #tpu.memory_space<vmem_shared>>
    %dma_wait3A_15 = arith.constant 0 : i32
    %dma_wait3A_16 = tpu.memref_slice %arg3[%mul3A_4, %dma_wait3A_15] : memref<10000x128xf32, #tpu.memory_space<hbm>> -> memref<624x128xf32, #tpu.memory_space<hbm>>
    tpu.wait_dma2 semaphore(%arg15 : memref<!tpu.dma_semaphore, #tpu.memory_space<semaphore_mem>>) src(%dma_wait3A_16 : memref<624x128xf32, #tpu.memory_space<hbm>>) dst(%dma_wait3A_14 : memref<624x128xf32, #tpu.memory_space<vmem_shared>>)
    %dma_wait3A_17 = tpu.memref_slice %arg2[%mul3A_2] : memref<320000xi32, #tpu.memory_space<hbm>> -> memref<10000xi32, #tpu.memory_space<hbm>>
    %dma_wait3A_18 = tpu.memref_slice %arg2[%mul3A_2] : memref<320000xi32, #tpu.memory_space<hbm>> -> memref<10000xi32, #tpu.memory_space<hbm>>
    tpu.wait_dma2 semaphore(%arg16 : memref<!tpu.dma_semaphore, #tpu.memory_space<semaphore_mem>>) src(%dma_wait3A_18 : memref<10000xi32, #tpu.memory_space<hbm>>) dst(%arg5 : memref<10000xi32, #tpu.memory_space<vmem>>)
    %barrier3A = arith.constant 0 : index
    tpu.barrier barrier_id(%barrier3A)
    %scan3A = arith.constant 0 : i32
    %scan3A_19 = arith.constant 0 : i32
    %scan3A_20 = arith.constant 31 : i32
    %scan3A_21 = arith.addi %scan3A_19, %scan3A_20 : i32
    %scan3A_22 = arith.constant 1 : i32
    scf.for %scan3A_96 = %scan3A_19 to %scan3A_21 step %scan3A_22  : i32 {
      %mul3A_97 = arith.constant 2 : i32
      %mul3A_98 = arith.muli %mul3A_97, %scan3A_96 : i32
      %gt3A = arith.constant 0 : i32
      %gt3A_99 = arith.cmpi sgt, %scan3A_96, %gt3A : i32
      %convert_element_type3A_100 = arith.extui %gt3A_99 : i1 to i32
      %cond3A_101 = arith.constant 0 : i32
      %cond3A_102 = arith.cmpi ne, %convert_element_type3A_100, %cond3A_101 : i32
      scf.if %cond3A_102 {
        %mul3A_170 = arith.constant 160 : i32
        %mul3A_171 = arith.muli %mul3A_98, %mul3A_170 : i32
        %add3A_172 = arith.addi %mul3A_2, %mul3A_171 : i32
        %dma_wait3A_173 = arith.constant 0 : i32
        %dma_wait3A_174 = tpu.memref_slice %arg4[%add3A_172, %dma_wait3A_173] : memref<320000x128xf32, #tpu.memory_space<hbm>> -> memref<160x128xf32, #tpu.memory_space<hbm>>
        %dma_wait3A_175 = arith.constant 0 : i32
        %dma_wait3A_176 = tpu.memref_slice %arg4[%add3A_172, %dma_wait3A_175] : memref<320000x128xf32, #tpu.memory_space<hbm>> -> memref<160x128xf32, #tpu.memory_space<hbm>>
        tpu.wait_dma2 semaphore(%arg13 : memref<!tpu.dma_semaphore, #tpu.memory_space<semaphore_mem>>) src(%arg7 : memref<160x128xf32, #tpu.memory_space<vmem>>) dst(%dma_wait3A_176 : memref<160x128xf32, #tpu.memory_space<hbm>>)
      } else {
      }
      %mul3A_103 = arith.constant 2 : i32
      %mul3A_104 = arith.muli %mul3A_103, %mul3A_98 : i32
      %mul3A_105 = arith.constant 80 : i32
      %mul3A_106 = arith.muli %mul3A_104, %mul3A_105 : i32
      %dma_start3A_107 = arith.constant 0 : i32
      %dma_start3A_108 = arith.constant 0 : i32
      %dma_start3A_109 = tpu.memref_slice %arg7[%dma_start3A_107, %dma_start3A_108] : memref<160x128xf32, #tpu.memory_space<vmem>> -> memref<80x128xf32, #tpu.memory_space<vmem>>
      %dma_start3A_110 = tpu.memref_slice %arg5[%mul3A_106] : memref<10000xi32, #tpu.memory_space<vmem>> -> memref<80xi32, #tpu.memory_space<vmem>>
      %dma_start3A_111 = arith.constant 0 : i32
      %dma_start3A_112 = arith.constant 0 : i32
      %dma_start3A_113 = tpu.memref_slice %arg6[%dma_start3A_111, %dma_start3A_112] : memref<10000x128xf32, #tpu.memory_space<vmem_shared>> -> memref<10000x128xf32, #tpu.memory_space<vmem_shared>>
      tpu.enqueue_indirect_dma source(%dma_start3A_113 : memref<10000x128xf32, #tpu.memory_space<vmem_shared>>) target(%dma_start3A_109 : memref<80x128xf32, #tpu.memory_space<vmem>>) offsets(%dma_start3A_110 : memref<80xi32, #tpu.memory_space<vmem>>) semaphore(%arg9 : memref<!tpu.dma_semaphore, #tpu.memory_space<semaphore_mem>>)
      %mul3A_114 = arith.constant 2 : i32
      %mul3A_115 = arith.muli %mul3A_114, %mul3A_98 : i32
      %add3A_116 = arith.constant 1 : i32
      %add3A_117 = arith.addi %mul3A_115, %add3A_116 : i32
      %mul3A_118 = arith.constant 80 : i32
      %mul3A_119 = arith.muli %add3A_117, %mul3A_118 : i32
      %dma_start3A_120 = arith.constant 80 : i32
      %dma_start3A_121 = arith.constant 0 : i32
      %dma_start3A_122 = tpu.memref_slice %arg7[%dma_start3A_120, %dma_start3A_121] : memref<160x128xf32, #tpu.memory_space<vmem>> -> memref<80x128xf32, #tpu.memory_space<vmem>>
      %dma_start3A_123 = tpu.memref_slice %arg5[%mul3A_119] : memref<10000xi32, #tpu.memory_space<vmem>> -> memref<80xi32, #tpu.memory_space<vmem>>
      %dma_start3A_124 = arith.constant 0 : i32
      %dma_start3A_125 = arith.constant 0 : i32
      %dma_start3A_126 = tpu.memref_slice %arg6[%dma_start3A_124, %dma_start3A_125] : memref<10000x128xf32, #tpu.memory_space<vmem_shared>> -> memref<10000x128xf32, #tpu.memory_space<vmem_shared>>
      tpu.enqueue_indirect_dma source(%dma_start3A_126 : memref<10000x128xf32, #tpu.memory_space<vmem_shared>>) target(%dma_start3A_122 : memref<80x128xf32, #tpu.memory_space<vmem>>) offsets(%dma_start3A_123 : memref<80xi32, #tpu.memory_space<vmem>>) semaphore(%arg10 : memref<!tpu.dma_semaphore, #tpu.memory_space<semaphore_mem>>)
      %gt3A_127 = arith.constant 0 : i32
      %gt3A_128 = arith.cmpi sgt, %mul3A_98, %gt3A_127 : i32
      %convert_element_type3A_129 = arith.extui %gt3A_128 : i1 to i32
      %cond3A_130 = arith.constant 0 : i32
      %cond3A_131 = arith.cmpi ne, %convert_element_type3A_129, %cond3A_130 : i32
      scf.if %cond3A_131 {
        %mul3A_170 = arith.constant 2 : i32
        %mul3A_171 = arith.muli %mul3A_170, %mul3A_98 : i32
        %sub3A = arith.constant 2 : i32
        %sub3A_172 = arith.subi %mul3A_171, %sub3A : i32
        %mul3A_173 = arith.constant 80 : i32
        %mul3A_174 = arith.muli %sub3A_172, %mul3A_173 : i32
        %dma_wait3A_175 = arith.constant 0 : i32
        %dma_wait3A_176 = arith.constant 0 : i32
        %dma_wait3A_177 = tpu.memref_slice %arg8[%dma_wait3A_175, %dma_wait3A_176] : memref<160x128xf32, #tpu.memory_space<vmem>> -> memref<80x128xf32, #tpu.memory_space<vmem>>
        %dma_wait3A_178 = tpu.memref_slice %arg5[%mul3A_174] : memref<10000xi32, #tpu.memory_space<vmem>> -> memref<80xi32, #tpu.memory_space<vmem>>
        %dma_wait3A_179 = arith.constant 0 : i32
        %dma_wait3A_180 = arith.constant 0 : i32
        %dma_wait3A_181 = tpu.memref_slice %arg6[%dma_wait3A_179, %dma_wait3A_180] : memref<10000x128xf32, #tpu.memory_space<vmem_shared>> -> memref<10000x128xf32, #tpu.memory_space<vmem_shared>>
        tpu.wait_indirect_dma semaphore(%arg11 : memref<!tpu.dma_semaphore, #tpu.memory_space<semaphore_mem>>) src(%dma_wait3A_181 : memref<10000x128xf32, #tpu.memory_space<vmem_shared>>) dst(%dma_wait3A_177 : memref<80x128xf32, #tpu.memory_space<vmem>>)
        %mul3A_182 = arith.constant 2 : i32
        %mul3A_183 = arith.muli %mul3A_182, %mul3A_98 : i32
        %sub3A_184 = arith.constant 1 : i32
        %sub3A_185 = arith.subi %mul3A_183, %sub3A_184 : i32
        %mul3A_186 = arith.constant 80 : i32
        %mul3A_187 = arith.muli %sub3A_185, %mul3A_186 : i32
        %dma_wait3A_188 = arith.constant 80 : i32
        %dma_wait3A_189 = arith.constant 0 : i32
        %dma_wait3A_190 = tpu.memref_slice %arg8[%dma_wait3A_188, %dma_wait3A_189] : memref<160x128xf32, #tpu.memory_space<vmem>> -> memref<80x128xf32, #tpu.memory_space<vmem>>
        %dma_wait3A_191 = tpu.memref_slice %arg5[%mul3A_187] : memref<10000xi32, #tpu.memory_space<vmem>> -> memref<80xi32, #tpu.memory_space<vmem>>
        %dma_wait3A_192 = arith.constant 0 : i32
        %dma_wait3A_193 = arith.constant 0 : i32
        %dma_wait3A_194 = tpu.memref_slice %arg6[%dma_wait3A_192, %dma_wait3A_193] : memref<10000x128xf32, #tpu.memory_space<vmem_shared>> -> memref<10000x128xf32, #tpu.memory_space<vmem_shared>>
        tpu.wait_indirect_dma semaphore(%arg12 : memref<!tpu.dma_semaphore, #tpu.memory_space<semaphore_mem>>) src(%dma_wait3A_194 : memref<10000x128xf32, #tpu.memory_space<vmem_shared>>) dst(%dma_wait3A_190 : memref<80x128xf32, #tpu.memory_space<vmem>>)
        %sub3A_195 = arith.constant 1 : i32
        %sub3A_196 = arith.subi %mul3A_98, %sub3A_195 : i32
        %mul3A_197 = arith.constant 160 : i32
        %mul3A_198 = arith.muli %sub3A_196, %mul3A_197 : i32
        %add3A_199 = arith.addi %mul3A_2, %mul3A_198 : i32
        %dma_start3A_200 = arith.constant 0 : i32
        %dma_start3A_201 = tpu.memref_slice %arg4[%add3A_199, %dma_start3A_200] : memref<320000x128xf32, #tpu.memory_space<hbm>> -> memref<160x128xf32, #tpu.memory_space<hbm>>
        %dma_start3A_202 = arith.constant 0 : i32
        %dma_start3A_203 = tpu.memref_slice %arg4[%add3A_199, %dma_start3A_202] : memref<320000x128xf32, #tpu.memory_space<hbm>> -> memref<160x128xf32, #tpu.memory_space<hbm>>
        tpu.enqueue_dma source(%arg8 : memref<160x128xf32, #tpu.memory_space<vmem>>) target(%dma_start3A_203 : memref<160x128xf32, #tpu.memory_space<hbm>>) target_semaphore(%arg14 : memref<!tpu.dma_semaphore, #tpu.memory_space<semaphore_mem>>)
      } else {
      }
      %mul3A_132 = arith.constant 2 : i32
      %mul3A_133 = arith.muli %mul3A_132, %scan3A_96 : i32
      %add3A_134 = arith.constant 1 : i32
      %add3A_135 = arith.addi %mul3A_133, %add3A_134 : i32
      %gt3A_136 = arith.constant 0 : i32
      %gt3A_137 = arith.cmpi sgt, %scan3A_96, %gt3A_136 : i32
      %convert_element_type3A_138 = arith.extui %gt3A_137 : i1 to i32
      %cond3A_139 = arith.constant 0 : i32
      %cond3A_140 = arith.cmpi ne, %convert_element_type3A_138, %cond3A_139 : i32
      scf.if %cond3A_140 {
        %mul3A_170 = arith.constant 160 : i32
        %mul3A_171 = arith.muli %add3A_135, %mul3A_170 : i32
        %add3A_172 = arith.addi %mul3A_2, %mul3A_171 : i32
        %dma_wait3A_173 = arith.constant 0 : i32
        %dma_wait3A_174 = tpu.memref_slice %arg4[%add3A_172, %dma_wait3A_173] : memref<320000x128xf32, #tpu.memory_space<hbm>> -> memref<160x128xf32, #tpu.memory_space<hbm>>
        %dma_wait3A_175 = arith.constant 0 : i32
        %dma_wait3A_176 = tpu.memref_slice %arg4[%add3A_172, %dma_wait3A_175] : memref<320000x128xf32, #tpu.memory_space<hbm>> -> memref<160x128xf32, #tpu.memory_space<hbm>>
        tpu.wait_dma2 semaphore(%arg14 : memref<!tpu.dma_semaphore, #tpu.memory_space<semaphore_mem>>) src(%arg8 : memref<160x128xf32, #tpu.memory_space<vmem>>) dst(%dma_wait3A_176 : memref<160x128xf32, #tpu.memory_space<hbm>>)
      } else {
      }
      %mul3A_141 = arith.constant 2 : i32
      %mul3A_142 = arith.muli %mul3A_141, %add3A_135 : i32
      %mul3A_143 = arith.constant 80 : i32
      %mul3A_144 = arith.muli %mul3A_142, %mul3A_143 : i32
      %dma_start3A_145 = arith.constant 0 : i32
      %dma_start3A_146 = arith.constant 0 : i32
      %dma_start3A_147 = tpu.memref_slice %arg8[%dma_start3A_145, %dma_start3A_146] : memref<160x128xf32, #tpu.memory_space<vmem>> -> memref<80x128xf32, #tpu.memory_space<vmem>>
      %dma_start3A_148 = tpu.memref_slice %arg5[%mul3A_144] : memref<10000xi32, #tpu.memory_space<vmem>> -> memref<80xi32, #tpu.memory_space<vmem>>
      %dma_start3A_149 = arith.constant 0 : i32
      %dma_start3A_150 = arith.constant 0 : i32
      %dma_start3A_151 = tpu.memref_slice %arg6[%dma_start3A_149, %dma_start3A_150] : memref<10000x128xf32, #tpu.memory_space<vmem_shared>> -> memref<10000x128xf32, #tpu.memory_space<vmem_shared>>
      tpu.enqueue_indirect_dma source(%dma_start3A_151 : memref<10000x128xf32, #tpu.memory_space<vmem_shared>>) target(%dma_start3A_147 : memref<80x128xf32, #tpu.memory_space<vmem>>) offsets(%dma_start3A_148 : memref<80xi32, #tpu.memory_space<vmem>>) semaphore(%arg11 : memref<!tpu.dma_semaphore, #tpu.memory_space<semaphore_mem>>)
      %mul3A_152 = arith.constant 2 : i32
      %mul3A_153 = arith.muli %mul3A_152, %add3A_135 : i32
      %add3A_154 = arith.constant 1 : i32
      %add3A_155 = arith.addi %mul3A_153, %add3A_154 : i32
      %mul3A_156 = arith.constant 80 : i32
      %mul3A_157 = arith.muli %add3A_155, %mul3A_156 : i32
      %dma_start3A_158 = arith.constant 80 : i32
      %dma_start3A_159 = arith.constant 0 : i32
      %dma_start3A_160 = tpu.memref_slice %arg8[%dma_start3A_158, %dma_start3A_159] : memref<160x128xf32, #tpu.memory_space<vmem>> -> memref<80x128xf32, #tpu.memory_space<vmem>>
      %dma_start3A_161 = tpu.memref_slice %arg5[%mul3A_157] : memref<10000xi32, #tpu.memory_space<vmem>> -> memref<80xi32, #tpu.memory_space<vmem>>
      %dma_start3A_162 = arith.constant 0 : i32
      %dma_start3A_163 = arith.constant 0 : i32
      %dma_start3A_164 = tpu.memref_slice %arg6[%dma_start3A_162, %dma_start3A_163] : memref<10000x128xf32, #tpu.memory_space<vmem_shared>> -> memref<10000x128xf32, #tpu.memory_space<vmem_shared>>
      tpu.enqueue_indirect_dma source(%dma_start3A_164 : memref<10000x128xf32, #tpu.memory_space<vmem_shared>>) target(%dma_start3A_160 : memref<80x128xf32, #tpu.memory_space<vmem>>) offsets(%dma_start3A_161 : memref<80xi32, #tpu.memory_space<vmem>>) semaphore(%arg12 : memref<!tpu.dma_semaphore, #tpu.memory_space<semaphore_mem>>)
      %gt3A_165 = arith.constant 0 : i32
      %gt3A_166 = arith.cmpi sgt, %add3A_135, %gt3A_165 : i32
      %convert_element_type3A_167 = arith.extui %gt3A_166 : i1 to i32
      %cond3A_168 = arith.constant 0 : i32
      %cond3A_169 = arith.cmpi ne, %convert_element_type3A_167, %cond3A_168 : i32
      scf.if %cond3A_169 {
        %mul3A_170 = arith.constant 2 : i32
        %mul3A_171 = arith.muli %mul3A_170, %add3A_135 : i32
        %sub3A = arith.constant 2 : i32
        %sub3A_172 = arith.subi %mul3A_171, %sub3A : i32
        %mul3A_173 = arith.constant 80 : i32
        %mul3A_174 = arith.muli %sub3A_172, %mul3A_173 : i32
        %dma_wait3A_175 = arith.constant 0 : i32
        %dma_wait3A_176 = arith.constant 0 : i32
        %dma_wait3A_177 = tpu.memref_slice %arg7[%dma_wait3A_175, %dma_wait3A_176] : memref<160x128xf32, #tpu.memory_space<vmem>> -> memref<80x128xf32, #tpu.memory_space<vmem>>
        %dma_wait3A_178 = tpu.memref_slice %arg5[%mul3A_174] : memref<10000xi32, #tpu.memory_space<vmem>> -> memref<80xi32, #tpu.memory_space<vmem>>
        %dma_wait3A_179 = arith.constant 0 : i32
        %dma_wait3A_180 = arith.constant 0 : i32
        %dma_wait3A_181 = tpu.memref_slice %arg6[%dma_wait3A_179, %dma_wait3A_180] : memref<10000x128xf32, #tpu.memory_space<vmem_shared>> -> memref<10000x128xf32, #tpu.memory_space<vmem_shared>>
        tpu.wait_indirect_dma semaphore(%arg9 : memref<!tpu.dma_semaphore, #tpu.memory_space<semaphore_mem>>) src(%dma_wait3A_181 : memref<10000x128xf32, #tpu.memory_space<vmem_shared>>) dst(%dma_wait3A_177 : memref<80x128xf32, #tpu.memory_space<vmem>>)
        %mul3A_182 = arith.constant 2 : i32
        %mul3A_183 = arith.muli %mul3A_182, %add3A_135 : i32
        %sub3A_184 = arith.constant 1 : i32
        %sub3A_185 = arith.subi %mul3A_183, %sub3A_184 : i32
        %mul3A_186 = arith.constant 80 : i32
        %mul3A_187 = arith.muli %sub3A_185, %mul3A_186 : i32
        %dma_wait3A_188 = arith.constant 80 : i32
        %dma_wait3A_189 = arith.constant 0 : i32
        %dma_wait3A_190 = tpu.memref_slice %arg7[%dma_wait3A_188, %dma_wait3A_189] : memref<160x128xf32, #tpu.memory_space<vmem>> -> memref<80x128xf32, #tpu.memory_space<vmem>>
        %dma_wait3A_191 = tpu.memref_slice %arg5[%mul3A_187] : memref<10000xi32, #tpu.memory_space<vmem>> -> memref<80xi32, #tpu.memory_space<vmem>>
        %dma_wait3A_192 = arith.constant 0 : i32
        %dma_wait3A_193 = arith.constant 0 : i32
        %dma_wait3A_194 = tpu.memref_slice %arg6[%dma_wait3A_192, %dma_wait3A_193] : memref<10000x128xf32, #tpu.memory_space<vmem_shared>> -> memref<10000x128xf32, #tpu.memory_space<vmem_shared>>
        tpu.wait_indirect_dma semaphore(%arg10 : memref<!tpu.dma_semaphore, #tpu.memory_space<semaphore_mem>>) src(%dma_wait3A_194 : memref<10000x128xf32, #tpu.memory_space<vmem_shared>>) dst(%dma_wait3A_190 : memref<80x128xf32, #tpu.memory_space<vmem>>)
        %sub3A_195 = arith.constant 1 : i32
        %sub3A_196 = arith.subi %add3A_135, %sub3A_195 : i32
        %mul3A_197 = arith.constant 160 : i32
        %mul3A_198 = arith.muli %sub3A_196, %mul3A_197 : i32
        %add3A_199 = arith.addi %mul3A_2, %mul3A_198 : i32
        %dma_start3A_200 = arith.constant 0 : i32
        %dma_start3A_201 = tpu.memref_slice %arg4[%add3A_199, %dma_start3A_200] : memref<320000x128xf32, #tpu.memory_space<hbm>> -> memref<160x128xf32, #tpu.memory_space<hbm>>
        %dma_start3A_202 = arith.constant 0 : i32
        %dma_start3A_203 = tpu.memref_slice %arg4[%add3A_199, %dma_start3A_202] : memref<320000x128xf32, #tpu.memory_space<hbm>> -> memref<160x128xf32, #tpu.memory_space<hbm>>
        tpu.enqueue_dma source(%arg7 : memref<160x128xf32, #tpu.memory_space<vmem>>) target(%dma_start3A_203 : memref<160x128xf32, #tpu.memory_space<hbm>>) target_semaphore(%arg13 : memref<!tpu.dma_semaphore, #tpu.memory_space<semaphore_mem>>)
      } else {
      }
    }
    %scan3A_23 = arith.constant 31 : i32
    %dma_wait3A_24 = arith.constant 0 : i32
    %dma_wait3A_25 = arith.constant 0 : i32
    %dma_wait3A_26 = tpu.memref_slice %arg8[%dma_wait3A_24, %dma_wait3A_25] : memref<160x128xf32, #tpu.memory_space<vmem>> -> memref<80x128xf32, #tpu.memory_space<vmem>>
    %dma_wait3A_27 = arith.constant 9760 : i32
    %dma_wait3A_28 = tpu.memref_slice %arg5[%dma_wait3A_27] : memref<10000xi32, #tpu.memory_space<vmem>> -> memref<80xi32, #tpu.memory_space<vmem>>
    %dma_wait3A_29 = arith.constant 0 : i32
    %dma_wait3A_30 = arith.constant 0 : i32
    %dma_wait3A_31 = tpu.memref_slice %arg6[%dma_wait3A_29, %dma_wait3A_30] : memref<10000x128xf32, #tpu.memory_space<vmem_shared>> -> memref<10000x128xf32, #tpu.memory_space<vmem_shared>>
    tpu.wait_indirect_dma semaphore(%arg11 : memref<!tpu.dma_semaphore, #tpu.memory_space<semaphore_mem>>) src(%dma_wait3A_31 : memref<10000x128xf32, #tpu.memory_space<vmem_shared>>) dst(%dma_wait3A_26 : memref<80x128xf32, #tpu.memory_space<vmem>>)
    %dma_wait3A_32 = arith.constant 80 : i32
    %dma_wait3A_33 = arith.constant 0 : i32
    %dma_wait3A_34 = tpu.memref_slice %arg8[%dma_wait3A_32, %dma_wait3A_33] : memref<160x128xf32, #tpu.memory_space<vmem>> -> memref<80x128xf32, #tpu.memory_space<vmem>>
    %dma_wait3A_35 = arith.constant 9840 : i32
    %dma_wait3A_36 = tpu.memref_slice %arg5[%dma_wait3A_35] : memref<10000xi32, #tpu.memory_space<vmem>> -> memref<80xi32, #tpu.memory_space<vmem>>
    %dma_wait3A_37 = arith.constant 0 : i32
    %dma_wait3A_38 = arith.constant 0 : i32
    %dma_wait3A_39 = tpu.memref_slice %arg6[%dma_wait3A_37, %dma_wait3A_38] : memref<10000x128xf32, #tpu.memory_space<vmem_shared>> -> memref<10000x128xf32, #tpu.memory_space<vmem_shared>>
    tpu.wait_indirect_dma semaphore(%arg12 : memref<!tpu.dma_semaphore, #tpu.memory_space<semaphore_mem>>) src(%dma_wait3A_39 : memref<10000x128xf32, #tpu.memory_space<vmem_shared>>) dst(%dma_wait3A_34 : memref<80x128xf32, #tpu.memory_space<vmem>>)
    %add3A_40 = arith.constant 9760 : i32
    %add3A_41 = arith.addi %mul3A_2, %add3A_40 : i32
    %dma_start3A_42 = arith.constant 0 : i32
    %dma_start3A_43 = tpu.memref_slice %arg4[%add3A_41, %dma_start3A_42] : memref<320000x128xf32, #tpu.memory_space<hbm>> -> memref<160x128xf32, #tpu.memory_space<hbm>>
    %dma_start3A_44 = arith.constant 0 : i32
    %dma_start3A_45 = tpu.memref_slice %arg4[%add3A_41, %dma_start3A_44] : memref<320000x128xf32, #tpu.memory_space<hbm>> -> memref<160x128xf32, #tpu.memory_space<hbm>>
    tpu.enqueue_dma source(%arg8 : memref<160x128xf32, #tpu.memory_space<vmem>>) target(%dma_start3A_45 : memref<160x128xf32, #tpu.memory_space<hbm>>) target_semaphore(%arg14 : memref<!tpu.dma_semaphore, #tpu.memory_space<semaphore_mem>>)
    %add3A_46 = arith.constant 9600 : i32
    %add3A_47 = arith.addi %mul3A_2, %add3A_46 : i32
    %dma_wait3A_48 = arith.constant 0 : i32
    %dma_wait3A_49 = tpu.memref_slice %arg4[%add3A_47, %dma_wait3A_48] : memref<320000x128xf32, #tpu.memory_space<hbm>> -> memref<160x128xf32, #tpu.memory_space<hbm>>
    %dma_wait3A_50 = arith.constant 0 : i32
    %dma_wait3A_51 = tpu.memref_slice %arg4[%add3A_47, %dma_wait3A_50] : memref<320000x128xf32, #tpu.memory_space<hbm>> -> memref<160x128xf32, #tpu.memory_space<hbm>>
    tpu.wait_dma2 semaphore(%arg13 : memref<!tpu.dma_semaphore, #tpu.memory_space<semaphore_mem>>) src(%arg7 : memref<160x128xf32, #tpu.memory_space<vmem>>) dst(%dma_wait3A_51 : memref<160x128xf32, #tpu.memory_space<hbm>>)
    %dma_start3A_52 = arith.constant 0 : i32
    %dma_start3A_53 = arith.constant 0 : i32
    %dma_start3A_54 = tpu.memref_slice %arg7[%dma_start3A_52, %dma_start3A_53] : memref<160x128xf32, #tpu.memory_space<vmem>> -> memref<80x128xf32, #tpu.memory_space<vmem>>
    %dma_start3A_55 = arith.constant 9920 : i32
    %dma_start3A_56 = tpu.memref_slice %arg5[%dma_start3A_55] : memref<10000xi32, #tpu.memory_space<vmem>> -> memref<80xi32, #tpu.memory_space<vmem>>
    %dma_start3A_57 = arith.constant 0 : i32
    %dma_start3A_58 = arith.constant 0 : i32
    %dma_start3A_59 = tpu.memref_slice %arg6[%dma_start3A_57, %dma_start3A_58] : memref<10000x128xf32, #tpu.memory_space<vmem_shared>> -> memref<10000x128xf32, #tpu.memory_space<vmem_shared>>
    tpu.enqueue_indirect_dma source(%dma_start3A_59 : memref<10000x128xf32, #tpu.memory_space<vmem_shared>>) target(%dma_start3A_54 : memref<80x128xf32, #tpu.memory_space<vmem>>) offsets(%dma_start3A_56 : memref<80xi32, #tpu.memory_space<vmem>>) semaphore(%arg9 : memref<!tpu.dma_semaphore, #tpu.memory_space<semaphore_mem>>)
    %dma_wait3A_60 = arith.constant 0 : i32
    %dma_wait3A_61 = arith.constant 0 : i32
    %dma_wait3A_62 = tpu.memref_slice %arg7[%dma_wait3A_60, %dma_wait3A_61] : memref<160x128xf32, #tpu.memory_space<vmem>> -> memref<80x128xf32, #tpu.memory_space<vmem>>
    %dma_wait3A_63 = arith.constant 9920 : i32
    %dma_wait3A_64 = tpu.memref_slice %arg5[%dma_wait3A_63] : memref<10000xi32, #tpu.memory_space<vmem>> -> memref<80xi32, #tpu.memory_space<vmem>>
    %dma_wait3A_65 = arith.constant 0 : i32
    %dma_wait3A_66 = arith.constant 0 : i32
    %dma_wait3A_67 = tpu.memref_slice %arg6[%dma_wait3A_65, %dma_wait3A_66] : memref<10000x128xf32, #tpu.memory_space<vmem_shared>> -> memref<10000x128xf32, #tpu.memory_space<vmem_shared>>
    tpu.wait_indirect_dma semaphore(%arg9 : memref<!tpu.dma_semaphore, #tpu.memory_space<semaphore_mem>>) src(%dma_wait3A_67 : memref<10000x128xf32, #tpu.memory_space<vmem_shared>>) dst(%dma_wait3A_62 : memref<80x128xf32, #tpu.memory_space<vmem>>)
    %add3A_68 = arith.constant 9920 : i32
    %add3A_69 = arith.addi %mul3A_2, %add3A_68 : i32
    %dma_start3A_70 = arith.constant 0 : i32
    %dma_start3A_71 = arith.constant 0 : i32
    %dma_start3A_72 = tpu.memref_slice %arg7[%dma_start3A_70, %dma_start3A_71] : memref<160x128xf32, #tpu.memory_space<vmem>> -> memref<80x128xf32, #tpu.memory_space<vmem>>
    %dma_start3A_73 = arith.constant 0 : i32
    %dma_start3A_74 = tpu.memref_slice %arg4[%add3A_69, %dma_start3A_73] : memref<320000x128xf32, #tpu.memory_space<hbm>> -> memref<80x128xf32, #tpu.memory_space<hbm>>
    %dma_start3A_75 = arith.constant 0 : i32
    %dma_start3A_76 = tpu.memref_slice %arg4[%add3A_69, %dma_start3A_75] : memref<320000x128xf32, #tpu.memory_space<hbm>> -> memref<80x128xf32, #tpu.memory_space<hbm>>
    %dma_start3A_77 = arith.constant 0 : i32
    %dma_start3A_78 = arith.constant 0 : i32
    %dma_start3A_79 = tpu.memref_slice %arg7[%dma_start3A_77, %dma_start3A_78] : memref<160x128xf32, #tpu.memory_space<vmem>> -> memref<80x128xf32, #tpu.memory_space<vmem>>
    tpu.enqueue_dma source(%dma_start3A_79 : memref<80x128xf32, #tpu.memory_space<vmem>>) target(%dma_start3A_76 : memref<80x128xf32, #tpu.memory_space<hbm>>) target_semaphore(%arg13 : memref<!tpu.dma_semaphore, #tpu.memory_space<semaphore_mem>>)
    %add3A_80 = arith.constant 9760 : i32
    %add3A_81 = arith.addi %mul3A_2, %add3A_80 : i32
    %dma_wait3A_82 = arith.constant 0 : i32
    %dma_wait3A_83 = tpu.memref_slice %arg4[%add3A_81, %dma_wait3A_82] : memref<320000x128xf32, #tpu.memory_space<hbm>> -> memref<160x128xf32, #tpu.memory_space<hbm>>
    %dma_wait3A_84 = arith.constant 0 : i32
    %dma_wait3A_85 = tpu.memref_slice %arg4[%add3A_81, %dma_wait3A_84] : memref<320000x128xf32, #tpu.memory_space<hbm>> -> memref<160x128xf32, #tpu.memory_space<hbm>>
    tpu.wait_dma2 semaphore(%arg14 : memref<!tpu.dma_semaphore, #tpu.memory_space<semaphore_mem>>) src(%arg8 : memref<160x128xf32, #tpu.memory_space<vmem>>) dst(%dma_wait3A_85 : memref<160x128xf32, #tpu.memory_space<hbm>>)
    %dma_wait3A_86 = arith.constant 0 : i32
    %dma_wait3A_87 = arith.constant 0 : i32
    %dma_wait3A_88 = tpu.memref_slice %arg7[%dma_wait3A_86, %dma_wait3A_87] : memref<160x128xf32, #tpu.memory_space<vmem>> -> memref<80x128xf32, #tpu.memory_space<vmem>>
    %dma_wait3A_89 = arith.constant 0 : i32
    %dma_wait3A_90 = tpu.memref_slice %arg4[%add3A_69, %dma_wait3A_89] : memref<320000x128xf32, #tpu.memory_space<hbm>> -> memref<80x128xf32, #tpu.memory_space<hbm>>
    %dma_wait3A_91 = arith.constant 0 : i32
    %dma_wait3A_92 = tpu.memref_slice %arg4[%add3A_69, %dma_wait3A_91] : memref<320000x128xf32, #tpu.memory_space<hbm>> -> memref<80x128xf32, #tpu.memory_space<hbm>>
    %dma_wait3A_93 = arith.constant 0 : i32
    %dma_wait3A_94 = arith.constant 0 : i32
    %dma_wait3A_95 = tpu.memref_slice %arg7[%dma_wait3A_93, %dma_wait3A_94] : memref<160x128xf32, #tpu.memory_space<vmem>> -> memref<80x128xf32, #tpu.memory_space<vmem>>
    tpu.wait_dma2 semaphore(%arg13 : memref<!tpu.dma_semaphore, #tpu.memory_space<semaphore_mem>>) src(%dma_wait3A_95 : memref<80x128xf32, #tpu.memory_space<vmem>>) dst(%dma_wait3A_92 : memref<80x128xf32, #tpu.memory_space<hbm>>)
    return
  }
}

</mosaic_0001>

<sc_bundles>
// kernel: kernel.3.cloned.1.call-start
scs
__scs_entry_jumppad:
0x0: {  	(pc) =	sbr.rel $0x88, $3  }
0x1: {  	(tag) =	ssettag $0x0;
	lr =	simm.s32 $0x1  }
0x2: {  	[smem:$0x3F9F] =	sst lr;
	_ =	strace $0xD0000000  }
0x3: {  	_ = 	snop  }
0x4: {  	_ = 	snop  }
0x5: {  	_ = 	snop  }
0x6: {  	_ = 	snop  }
0x7: {  	_ = 	snop  }
__scs_overlays_trampoline_lowered:
0x8: {  	[smem:$0x3FAE] =	sst s0  }
0x9: {  	[smem:$0x3FAF] =	sst s1  }
0xa: {  	[smem:$0x3FB0] =	sst s2  }
0xb: {  	[smem:$0x3FB1] =	sst s3  }
0xc: {  	[smem:$0x3FB2] =	sst s4  }
0xd: {  	[smem:$0x3FB3] =	sst s5  }
0xe: {  	[smem:$0x3FB4] =	sst s6  }
0xf: {  	[smem:$0x3FB5] =	sst s7  }
0x10: {  	[smem:$0x3FB6] =	sst s8  }
0x11: {  	[smem:$0x3FB7] =	sst s9;
	s0 =	simm.s32 @!p0 $0x0  }
0x12: {  	s1 =	sld [smem:$0x3F9D];
	s0 =	simm.s32 @p0 $0x1  }
0x13: {  	[smem:$0x3FB8] =	sst s0;
	s0 =	simm.s32 @!p1 $0x0  }
0x14: {  	s2 =	sld [smem:$0x3F9C];
	s0 =	simm.s32 @p1 $0x1  }
0x15: {  	[smem:$0x3FB9] =	sst s0;
	s0 =	simm.s32 @!p2 $0x0  }
0x16: {  	s3 =	sld [smem:$0x3FDB];
	s0 =	simm.s32 @p2 $0x1  }
0x17: {  	s4 =	simm.s32 $0x1BF5;
	[smem:$0x3FBB] =	sst s0  }
0x18: {  	s0 =	sld [smem:$0x3F9E];
	_ =	swait.ge [sflag:s4], $0x0  }
0x19: {  	s7 =	sld [smem:$0x3F9F]  }
0x1a: {  	s8 =	sadd.s32 $0xFFFFE003, lr  }
0x1b: {  	s9 =	sadd.s32 $0xFFFFFEF7, lr;
	s5 =	simm.s32 $0xFFFFFFFF;
	p2 =	slt.u32 s8, $0xFFFFF086  }
0x1c: {  	p1 =	slt.u32 s9, $0xF7A;
	s5 =	simm.s32 @!p2 $0x0  }
0x1d: {  	s5 =	simm.s32 @p1 $0x1;
	p0 =	seq.s32 s7, s2  }
0x1e: {  	s7 =	smul.u32 @!p0 $0xF7A, s2;
	p2 =	seq.s32 @!p0 s5, $0x0  }
0x1f: {  	s9 =	smul.u32 $0xF7A, s1;
	s8 =	simm.s32 @!p0 $0x1BF5;
	p2 =	por !p2, p0  }
0x20: {  	[sflag:s8] =	ssyncset.s32 @!p0 $0xFFFFF086;
	s6 =	sadd.s32 @!p0 s3, s7;
	s7 =	simm.s32 @!p0 $0x108  }
0x21: {  	s3 =	sadd.s32 s3, s9;
	s6 =	sadd.s32 @!p0 $0x88, s6;
	s7 =	simm.s32 @p2 $0x1082  }
0x22: {  	[simem:s7], [sflag:s8] =	dma.local @!p0 [hbm:s6], $0xF7A  }
0x23: {  	s9 =	sor.u32 $0xD0000000, s2;
	s6 =	simm.s32 $0x108;
	_ =	swait.ge @!p0 [sflag:s8], $0x0  }
0x24: {  	s3 =	sadd.s32 $0x88, s3;
	s6 =	simm.s32 @!p1 $0x1082;
	[sflag:s4] =	ssyncset.s32 $0xFFFFF086  }
0x25: {  	[simem:s6], [sflag:s4] =	dma.local [hbm:s3], $0xF7A  }
0x26: {  	[smem:$0x3F9F] =	sst s1;
	(tag) =	ssettag s2;
	_ =	strace s9  }
0x27: {  	s1 =	sld [smem:$0x3FAF]  }
0x28: {  	s2 =	sld [smem:$0x3FB0]  }
0x29: {  	s4 =	sld [smem:$0x3FB2]  }
0x2a: {  	p0 =	seq.s32 s5, $0x0;
	s5 =	sld [smem:$0x3FB3]  }
0x2b: {  	s6 =	sld [smem:$0x3FB4]  }
0x2c: {  	s7 =	sld [smem:$0x3FB5]  }
0x2d: {  	s3 =	simm.s32 $0x108;
	s8 =	sld [smem:$0x3FB6]  }
0x2e: {  	s3 =	simm.s32 @!p0 $0x1082;
	s9 =	sld [smem:$0x3FB7]  }
0x2f: {  	lr =	sadd.s32 s0, s3;
	s0 =	sld [smem:$0x3FAE]  }
0x30: {  	s3 =	sld [smem:$0x3FB1]  }
0x31: {  	[smem:$0x3FBA] =	sst s10  }
0x32: {  	s10 =	sld [smem:$0x3FB8];
	_ =	sdelay $0x3  }
0x33: {  	p0 =	seq.s32 s10, $0x1;
	s10 =	sld [smem:$0x3FBA];
	_ =	sdelay $0x3  }
0x34: {  	[smem:$0x3FBA] =	sst s10  }
0x35: {  	s10 =	sld [smem:$0x3FB9];
	_ =	sdelay $0x3  }
0x36: {  	p1 =	seq.s32 s10, $0x1;
	s10 =	sld [smem:$0x3FBA];
	_ =	sdelay $0x3  }
0x37: {  	[smem:$0x3FBA] =	sst s10  }
0x38: {  	s10 =	sld [smem:$0x3FBB]  }
0x39: {  	_ = 	snop;
	(pc) =	sbr.ind lr, $3  }
0x3a: {  	_ = 	snop  }
0x3b: {  	_ = 	snop  }
0x3c: {  	p2 =	seq.s32 s10, $0x1;
	s10 =	sld [smem:$0x3FBA]  }
0x3d: {  	_ =	shalt  }
0x3e: {  	_ =	shalt  }
0x3f: {  	_ =	shalt  }
0x40: {  	_ =	shalt  }
0x41: {  	_ =	shalt  }
0x42: {  	_ =	shalt  }
0x43: {  	_ =	shalt  }
0x44: {  	_ =	shalt  }
0x45: {  	_ =	shalt  }
0x46: {  	_ =	shalt  }
0x47: {  	_ =	shalt  }
0x48: {  	_ =	shalt  }
0x49: {  	_ =	shalt  }
0x4a: {  	_ =	shalt  }
0x4b: {  	_ =	shalt  }
0x4c: {  	_ =	shalt  }
0x4d: {  	_ =	shalt  }
0x4e: {  	_ =	shalt  }
0x4f: {  	_ =	shalt  }
0x50: {  	_ =	shalt  }
0x51: {  	_ =	shalt  }
0x52: {  	_ =	shalt  }
0x53: {  	_ =	shalt  }
0x54: {  	_ =	shalt  }
0x55: {  	_ =	shalt  }
0x56: {  	_ =	shalt  }
0x57: {  	_ =	shalt  }
0x58: {  	_ =	shalt  }
0x59: {  	_ =	shalt  }
0x5a: {  	_ =	shalt  }
0x5b: {  	_ =	shalt  }
0x5c: {  	_ =	shalt  }
0x5d: {  	_ =	shalt  }
0x5e: {  	_ =	shalt  }
0x5f: {  	_ =	shalt  }
0x60: {  	_ =	shalt  }
0x61: {  	_ =	shalt  }
0x62: {  	_ =	shalt  }
0x63: {  	_ =	shalt  }
0x64: {  	_ =	shalt  }
0x65: {  	_ =	shalt  }
0x66: {  	_ =	shalt  }
0x67: {  	_ =	shalt  }
0x68: {  	_ =	shalt  }
0x69: {  	_ =	shalt  }
0x6a: {  	_ =	shalt  }
0x6b: {  	_ =	shalt  }
0x6c: {  	_ =	shalt  }
0x6d: {  	_ =	shalt  }
0x6e: {  	_ =	shalt  }
0x6f: {  	_ =	shalt  }
0x70: {  	_ =	shalt  }
0x71: {  	_ =	shalt  }
0x72: {  	_ =	shalt  }
0x73: {  	_ =	shalt  }
0x74: {  	_ =	shalt  }
0x75: {  	_ =	shalt  }
0x76: {  	_ =	shalt  }
0x77: {  	_ =	shalt  }
0x78: {  	_ =	shalt  }
0x79: {  	_ =	shalt  }
0x7a: {  	_ =	shalt  }
0x7b: {  	_ =	shalt  }
0x7c: {  	_ =	shalt  }
0x7d: {  	_ =	shalt  }
0x7e: {  	_ =	shalt  }
0x7f: {  	_ =	shalt  }
0x80: {  	_ =	shalt  }
0x81: {  	_ =	shalt  }
0x82: {  	_ =	shalt  }
0x83: {  	_ =	shalt  }
0x84: {  	_ =	shalt  }
0x85: {  	_ =	shalt  }
0x86: {  	_ =	shalt  }
0x87: {  	_ =	shalt  }
.Lfunc_end0:
.L_simem_size_0:
called_computation_lowered:
.L_overlay_start_0:
0x88: {  	s2 =	sld [smem:$0x3FD9]  }
0x89: {  	s3 =	sld [smem:$0x3FFE];
	_ =	sdelay $0x1  }
0x8a: {  	s1 =	srdreg.scid  }
0x8b: {  	s0 =	sand.u32 $0x1, s1  }
0x8c: {  	s17 =	sshll.u32 s0, $0xA;
	s2 =	sadd.s32 s3, s2  }
0x8d: {  	s2 =	sadd.s32 s2, s17  }
0x8e: {  	[smem:$0x3FC6] =	sst s2  }
0x8f: {  	_ = 	snop  }
0x90: {  	s2 =	sld [smem:$0x3FC9]  }
0x91: {  	s18 =	sld [smem:$0x3FD0];
	(tm) =	ssettm $0x1  }
0x92: {  	s4 =	sld [smem:$0x3FFB];
	_ =	sdelay $0x3  }
0x93: {  	_ =	strace s4  }
0x94: {  	s4 =	sld [smem:$0x3FFC];
	_ =	sdelay $0x3  }
0x95: {  	_ =	strace s4  }
0x96: {  	s4 =	sld [smem:$0x3FFD];
	_ =	sdelay $0x3  }
0x97: {  	_ =	strace s4  }
0x98: {  	_ =	strace $0x8FFFFFFF  }
0x99: {  	s19 =	sld [smem:$0x3FDB];
	_ =	sdelay $0x1  }
0x9a: {  	s5 =	simm.s32 $_scs_section_size  }
0x9b: {  	s6 =	simm.s32 $_size__tile_overlayer_lowered;
	s7 =	simm.s32 $_tile_overlayer_lowered  }
0x9c: {  	s22 =	simm.s32 $0x1BFF;
	s21 =	sshll.u32 s7, $0x1;
	s4 =	sadd.s32 s5, s19  }
0x9d: {  	s8 =	simm.s32 $0x0;
	s20 =	sshll.u32 s6, $0x1;
	s6 =	sadd.s32 s21, s4  }
0x9e: {  	[timem:s8], [sflag:s22] =	dma.local [hbm:s6], s20  }
0x9f: {  	_ =	swait.ge [sflag:s22], s20  }
0xa0: {  	s5 =	ssub.s32 $0x0, s20;
	[sflag:s22] =	ssyncset.done $0x0  }
0xa1: {  	[sflag:s22] =	ssyncadd.s32 s5;
	_ =	sdelay $0x1  }
0xa2: {  	s23 =	simm.s32 $0x1B8B  }
0xa3: {  	_ =	swait.ge [sflag:s23], $0x1  }
0xa4: {  	[sflag:s23] =	ssyncset.done $0x0  }
0xa5: {  	s25 =	simm.s32 $0x1B8E;
	s24 =	sld [smem:$0x3FFE];
	[sflag:s23] =	ssyncadd.s32 $0xFFFFFFFF  }
0xa6: {  	s26 =	simm.s32 $execute0_lowered;
	[smem:$0x3FD2] =	sst s25  }
0xa7: {  	s6 =	sshll.u32 s26, $0x1;
	_ =	strace $0x80000046;
	[dreg:$0x1] =	wrdreg $0xFFFFFFFF  }
0xa8: {  	s28 =	simm.s32 $_size_execute0_lowered;
	s4 =	sadd.s32 s4, s6;
	[dreg:$0x0] =	wrdreg $0x0  }
0xa9: {  	s6 =	sshll.u32 s28, $0x1;
	[dreg:$0x2] =	wrdreg s4  }
0xaa: {  	[dreg:$0x3] =	wrdreg s6  }
0xab: {  	[dreg:$0x4] =	wrdreg $0xC0  }
0xac: {  	_ =	task [dreg:s8], $0x5FFFF  }
0xad: {  	[dreg:$0x1] =	wrdreg $0xFFFFFFFF  }
0xae: {  	[dreg:$0x0] =	wrdreg $0x60  }
0xaf: {  	[dreg:$0x2] =	wrdreg s24  }
0xb0: {  	[dreg:$0x3] =	wrdreg s2  }
0xb1: {  	[dreg:$0x4] =	wrdreg s18  }
0xb2: {  	[dreg:$0x5] =	wrdreg $0x27800  }
0xb3: {  	[dreg:$0x6] =	wrdreg $0x9  }
0xb4: {  	_ =	task.clear_ibuf [dreg:s8], $0x7FFFF;
	_ =	strace $0x90000046  }
0xb5: {  	s29 =	simm.s32 $0x9;
	_ =	strace $0x80000048  }
0xb6: {  	_ =	swait.ge [sflag:s29], $0x1  }
0xb7: {  	[sflag:s29] =	ssyncadd.s32 $0xFFFFFFFF  }
0xb8: {  	_ =	strace $0x90000048  }
0xb9: {  	_ =	sfence  }
0xba: {  	s30 =	sld [smem:$0x0];
	_ =	sdelay $0x2  }
0xbb: {  	s31 =	sshll.u32 s1, $0xD;
	s1 =	sshrl.u32 s1, $0x2  }
0xbc: {  	s3 =	sand.u32 $0x4000, s31;
	s1 =	sadd.s32 s1, s30  }
0xbd: {  	s0 =	sor.u32 s3, s0;
	s1 =	sshll.u32 s1, $0x11  }
0xbe: {  	s0 =	sor.u32 s1, s0  }
0xbf: {  	s0 =	sadd.s32 $0x8F2B, s0  }
0xc0: {  	[sflag:s0] =	ssyncadd.remote.s32 $0x1  }
0xc1: {  	_ =	sfence.sel $0xFFFF  }
0xc2: {  	[dreg:$0x0] =	wrdreg $0xFFFFFFFF;
	(pc) =	sbr.abs _section_cstart, $3  }
0xc3: {  	[dreg:$0x1] =	wrdreg $0xFFFFFFFF  }
0xc4: {  	_ =	task.clear_ibuf [dreg:s8], $0x2FFFF;
	_ =	strace $0x9FFFFFFF  }
0xc5: {  	(tm) =	ssettm $0x7FFFFFFF  }
tec
execute0_lowered:
.L_overlay_start_1:
0x0: {  	(tag) =	ssettag $0x1  }
0x1: {  	s0 =	rddreg [dreg:$0x0]  }
0x2: {  	s6 =	rddreg [dreg:$0x1]  }
0x3: {  	s10 =	rddreg [dreg:$0x2]  }
0x4: {  	s1 =	rddreg [dreg:$0x3];
	s2 =	simm.s32 $0x0;
	s3 =	srdreg.scid  }
0x5: {  	s12 =	stileid.u32;
	s16 =	simm.s32 $0x50;
	s17 =	simm.s32 $0x16000  }
0x6: {  	s18 =	simm.s32 $0x18800;
	s28 =	simm.s32 $0x4;
	s29 =	simm.s32 $0x6  }
0x7: {  	s31 =	simm.s32 $0x0;
	[smem:$0x7FF] =	sst s2;
	s4 =	smul.u32 $0x4E000, s12  }
0x8: {  	s7 =	sand.u32 $0x1, s3;
	s19 =	sshll.u32 s12, $0x1;
	s20 =	smul.u32 $0x2700, s12  }
0x9: {  	s21 =	sshll.u32 s12, $0x6;
	s14 =	sadd.s32 $0x138000, s1;
	s26 =	smul.u32 $0x4E200, s12  }
0xa: {  	p0 =	sne.s32 s12, $0x0;
	s8 =	sor.u32 s7, s19;
	s15 =	smul.u32 $0x27100, s7  }
0xb: {  	_ =	strace $0x80000047;
	s5 =	ssub.s32 $0x2, s7;
	s11 =	smul.u32 $0x2710, s8  }
0xc: {  	s9 =	sshrl.u32 s5, $0x1;
	s4 =	sshrl.u32 s4, $0x2;
	s23 =	smul.u32 $0x138800, s8  }
0xd: {  	s3 =	sadd.s32 s6, s20;
	s24 =	smul.u32 $0x27100, s8;
	s6 =	sadd.s32 $0x27000, s6  }
0xe: {  	s20 =	simm.s32 $0x1B000;
	s9 =	ssub.s32 s5, s9;
	s13 =	sadd.s32 s4, s1  }
0xf: {  	s4 =	sor.u32 $0x1C07, s21;
	s22 =	sshrl.u32 s11, $0x3;
	s25 =	sshrl.u32 s23, $0x3  }
0x10: {  	s11 =	sadd.s32 s26, s10;
	s9 =	smax.u32 s9, $0x1;
	s12 =	sshrl.u32 s13, $0x3  }
0x11: {  	s13 =	sshrl.u32 @!p0 s14, $0x3;
	s14 =	simm.s32 $0x7;
	s23 =	simm.s32 $0x1  }
0x12: {  	s26 =	simm.s32 $0x3;
	s5 =	sadd.s32 s0, s22;
	s8 =	sadd.s32 s10, s25  }
0x13: {  	s10 =	sadd.s32 s10, s24;
	s30 =	sadd.s32 s15, s11;
	s15 =	simm.s32 $0x8  }
0x14: {  	s22 =	simm.s32 $0x1D800;
	s24 =	simm.s32 $0x2;
	s25 =	simm.s32 $0x5  }
0x15: {  	s7 =	sadd.s32 $0x26200, s8;
	s8 =	sadd.s32 $0x26C00, s8;
	s11 =	sadd.s32 $0xA00, s30  }
.LBB2_1:
0x16: {  	[spmem:s12], [sflag:s4] =	dma.local [hbm:s3], $0x2700  }
0x17: {  	s0 =	simm.s32 @!p0 $0x1C09  }
0x18: {  	[tilespmem:s2], [sflag:$0x8] =	stream.linear.gather [hbm4b:s5+s2], $0x2710, $0x38;
	v63 =	vld [tilespmem:$0x0]  }
0x19: {  	[spmem:s13], [sflag:s0] =	dma.local @!p0 [hbm:s6], $0x100  }
0x1a: {  	s0 =	simm.s32 @!p0 $0x9  }
0x1b: {  	_ =	swait.ge @!p0 [sflag:s0], $0x100  }
0x1c: {  	[sflag:s0] =	ssyncset.done @!p0 $0x0  }
0x1d: {  	[sflag:s0] =	ssyncadd.s32 @!p0 $0xFFFFFF00  }
0x1e: {  	_ =	swait.ge [sflag:s14], $0x2700  }
0x1f: {  	[sflag:s14] =	ssyncset.done $0x0  }
0x20: {  	[sflag:s14] =	ssyncadd.s32 $0xFFFFD900  }
0x21: {  	_ =	swait.ge [sflag:s15], $0x2710  }
0x22: {  	[sflag:s15] =	ssyncset.done $0x0  }
0x23: {  	[sflag:s15] =	ssyncadd.s32 $0xFFFFD8F0  }
0x24: {  	[bflag:$0x0] =	sbarrier.arrive $0xFFFF  }
0x25: {  	[tilespmem:s17], [sflag:$0x1] =	stream.indirect.gather [spmem:s1], $0x80, s2, s16, $0xb8;
	v63 =	vld [tilespmem:$0x0]  }
0x26: {  	_ = 	snop  }
0x27: {  	[tilespmem:s18], [sflag:$0x2] =	stream.indirect.gather [spmem:s1], $0x80, s16, s16, $0xb8;
	v63 =	vld [tilespmem:$0x0]  }
0x28: {  	s19 =	simm.s32 $0xA0  }
0x29: {  	[tilespmem:s20], [sflag:$0x3] =	stream.indirect.gather [spmem:s1], $0x80, s19, s16, $0xb8;
	v63 =	vld [tilespmem:$0x0]  }
0x2a: {  	s21 =	simm.s32 $0xF0  }
0x2b: {  	[tilespmem:s22], [sflag:$0x4] =	stream.indirect.gather [spmem:s1], $0x80, s21, s16, $0xb8;
	v63 =	vld [tilespmem:$0x0]  }
0x2c: {  	_ =	swait.ge [sflag:s23], $0x2800  }
0x2d: {  	[sflag:s23] =	ssyncset.done $0x0  }
0x2e: {  	[sflag:s23] =	ssyncadd.s32 $0xFFFFD800  }
0x2f: {  	_ =	swait.ge [sflag:s24], $0x2800  }
0x30: {  	[sflag:s24] =	ssyncset.done $0x0  }
0x31: {  	[sflag:s24] =	ssyncadd.s32 $0xFFFFD800  }
0x32: {  	[hbm4b:s10+s2] =	stream.linear.scatter [tilespmem:s17], [sflag:$0x5], $0x5000, $0x38;
	v63 =	vld [tilespmem:$0x0]  }
0x33: {  	_ =	swait.ge [sflag:s25], $0x5000  }
0x34: {  	[sflag:s25] =	ssyncset.done $0x0  }
0x35: {  	s30 =	simm.s32 $0x140;
	[sflag:s25] =	ssyncadd.s32 $0xFFFFB000  }
0x36: {  	[tilespmem:s17], [sflag:$0x1] =	stream.indirect.gather [spmem:s1], $0x80, s30, s16, $0xb8;
	v63 =	vld [tilespmem:$0x0]  }
0x37: {  	s19 =	simm.s32 $0x190  }
0x38: {  	[tilespmem:s18], [sflag:$0x2] =	stream.indirect.gather [spmem:s1], $0x80, s19, s16, $0xb8;
	v63 =	vld [tilespmem:$0x0]  }
0x39: {  	_ =	swait.ge [sflag:s26], $0x2800  }
0x3a: {  	[sflag:s26] =	ssyncset.done $0x0  }
0x3b: {  	[sflag:s26] =	ssyncadd.s32 $0xFFFFD800  }
0x3c: {  	_ =	swait.ge [sflag:s28], $0x2800  }
0x3d: {  	[sflag:s28] =	ssyncset.done $0x0  }
0x3e: {  	[sflag:s28] =	ssyncadd.s32 $0xFFFFD800  }
0x3f: {  	[hbm4b:s11+s2] =	stream.linear.scatter [tilespmem:s20], [sflag:$0x6], $0x5000, $0x38;
	v63 =	vld [tilespmem:$0x0]  }
0x40: {  	_ =	swait.ge [sflag:s29], $0x5000  }
0x41: {  	[sflag:s29] =	ssyncset.done $0x0  }
0x42: {  	s21 =	simm.s32 $0x1E0;
	[sflag:s29] =	ssyncadd.s32 $0xFFFFB000  }
0x43: {  	[tilespmem:s20], [sflag:$0x3] =	stream.indirect.gather [spmem:s1], $0x80, s21, s16, $0xb8;
	v63 =	vld [tilespmem:$0x0]  }
0x44: {  	s30 =	simm.s32 $0x230  }
0x45: {  	[tilespmem:s22], [sflag:$0x4] =	stream.indirect.gather [spmem:s1], $0x80, s30, s16, $0xb8;
	v63 =	vld [tilespmem:$0x0]  }
0x46: {  	_ =	swait.ge [sflag:s23], $0x2800  }
0x47: {  	[sflag:s23] =	ssyncset.done $0x0  }
0x48: {  	[sflag:s23] =	ssyncadd.s32 $0xFFFFD800  }
0x49: {  	_ =	swait.ge [sflag:s24], $0x2800  }
0x4a: {  	s0 =	simm.s32 $0x500;
	[sflag:s24] =	ssyncset.done $0x0  }
0x4b: {  	s19 =	sadd.s32 $0x1400, s11;
	s21 =	sadd.s32 $0xA00, s11;
	[sflag:s24] =	ssyncadd.s32 $0xFFFFD800  }
.LBB2_2:
0x4c: {  	[hbm4b:s21+s2] =	stream.linear.scatter [tilespmem:s17], [sflag:$0x5], $0x5000, $0x38;
	v63 =	vld [tilespmem:$0x0]  }
0x4d: {  	s21 =	smov.u32 s0  }
0x4e: {  	p1 =	sne.s32 s0, $0x9100;
	s0 =	sadd.s32 $0x500, s0;
	_ =	swait.ge [sflag:s25], $0x5000  }
0x4f: {  	s21 =	sshra.s32 s21, $0x2;
	[sflag:s25] =	ssyncset.done $0x0  }
0x50: {  	s30 =	sadd.s32 $0x140, s21;
	[sflag:s25] =	ssyncadd.s32 $0xFFFFB000  }
0x51: {  	[tilespmem:s17], [sflag:$0x1] =	stream.indirect.gather [spmem:s1], $0x80, s30, s16, $0xb8;
	v63 =	vld [tilespmem:$0x0]  }
0x52: {  	s30 =	sadd.s32 $0x190, s21  }
0x53: {  	[tilespmem:s18], [sflag:$0x2] =	stream.indirect.gather [spmem:s1], $0x80, s30, s16, $0xb8;
	v63 =	vld [tilespmem:$0x0]  }
0x54: {  	_ =	swait.ge [sflag:s26], $0x2800  }
0x55: {  	[sflag:s26] =	ssyncset.done $0x0  }
0x56: {  	[sflag:s26] =	ssyncadd.s32 $0xFFFFD800  }
0x57: {  	_ =	swait.ge [sflag:s28], $0x2800  }
0x58: {  	[sflag:s28] =	ssyncset.done $0x0  }
0x59: {  	[sflag:s28] =	ssyncadd.s32 $0xFFFFD800  }
0x5a: {  	[hbm4b:s19+s2] =	stream.linear.scatter [tilespmem:s20], [sflag:$0x6], $0x5000, $0x38;
	v63 =	vld [tilespmem:$0x0]  }
0x5b: {  	_ =	swait.ge [sflag:s29], $0x5000  }
0x5c: {  	[sflag:s29] =	ssyncset.done $0x0  }
0x5d: {  	s30 =	sadd.s32 $0x1E0, s21;
	[sflag:s29] =	ssyncadd.s32 $0xFFFFB000  }
0x5e: {  	[tilespmem:s20], [sflag:$0x3] =	stream.indirect.gather [spmem:s1], $0x80, s30, s16, $0xb8;
	v63 =	vld [tilespmem:$0x0]  }
0x5f: {  	s21 =	sadd.s32 $0x230, s21  }
0x60: {  	[tilespmem:s22], [sflag:$0x4] =	stream.indirect.gather [spmem:s1], $0x80, s21, s16, $0xb8;
	v63 =	vld [tilespmem:$0x0]  }
0x61: {  	_ =	swait.ge [sflag:s23], $0x2800  }
.Ltmp0:
0x62: {  	[sflag:s23] =	ssyncset.done $0x0;
	(pc) =	sbr.rel @p1 .LBB2_2-.Ltmp0, $4  }
0x63: {  	[sflag:s23] =	ssyncadd.s32 $0xFFFFD800  }
0x64: {  	_ =	swait.ge [sflag:s24], $0x2800  }
0x65: {  	[sflag:s24] =	ssyncset.done $0x0  }
0x66: {  	s21 =	sadd.s32 $0xA00, s19;
	s19 =	sadd.s32 $0x1400, s19;
	[sflag:s24] =	ssyncadd.s32 $0xFFFFD800  }
0x67: {  	[hbm4b:s21+s2] =	stream.linear.scatter [tilespmem:s17], [sflag:$0x5], $0x5000, $0x38;
	v63 =	vld [tilespmem:$0x0]  }
0x68: {  	_ =	swait.ge [sflag:s26], $0x2800  }
0x69: {  	[sflag:s26] =	ssyncset.done $0x0  }
0x6a: {  	[sflag:s26] =	ssyncadd.s32 $0xFFFFD800  }
0x6b: {  	_ =	swait.ge [sflag:s28], $0x2800  }
0x6c: {  	[sflag:s28] =	ssyncset.done $0x0  }
0x6d: {  	[sflag:s28] =	ssyncadd.s32 $0xFFFFD800  }
0x6e: {  	[hbm4b:s7+s2] =	stream.linear.scatter [tilespmem:s20], [sflag:$0x6], $0x5000, $0x38;
	v63 =	vld [tilespmem:$0x0]  }
0x6f: {  	_ =	swait.ge [sflag:s25], $0x5000  }
0x70: {  	[sflag:s25] =	ssyncset.done $0x0  }
0x71: {  	s0 =	simm.s32 $0x26C0;
	[sflag:s25] =	ssyncadd.s32 $0xFFFFB000  }
0x72: {  	[tilespmem:s17], [sflag:$0x1] =	stream.indirect.gather [spmem:s1], $0x80, s0, s16, $0xb8;
	v63 =	vld [tilespmem:$0x0]  }
0x73: {  	_ =	swait.ge [sflag:s23], $0x2800  }
0x74: {  	[sflag:s23] =	ssyncset.done $0x0  }
0x75: {  	s31 =	sadd.s32 $0x1, s31;
	[sflag:s23] =	ssyncadd.s32 $0xFFFFD800  }
0x76: {  	[hbm4b:s8+s2] =	stream.linear.scatter [tilespmem:s17], [sflag:$0x5], $0x2800, $0x38;
	v63 =	vld [tilespmem:$0x0]  }
0x77: {  	p1 =	sne.s32 s31, s9;
	_ =	swait.ge [sflag:s29], $0x5000  }
.Ltmp1:
0x78: {  	[sflag:s29] =	ssyncset.done $0x0;
	(pc) =	sbr.rel @p1 .LBB2_1-.Ltmp1, $4  }
0x79: {  	[sflag:s29] =	ssyncadd.s32 $0xFFFFB000  }
0x7a: {  	_ =	swait.ge [sflag:s25], $0x2800  }
0x7b: {  	[sflag:s25] =	ssyncset.done $0x0  }
0x7c: {  	[sflag:s25] =	ssyncadd.s32 $0xFFFFD800  }
0x7d: {  	_ =	sfence.sel $0x180000  }
0x7e: {  	[bflag:$0x0] =	sbarrier.arrive $0xFFFF  }
0x7f: {  	_ =	strace $0x90000047  }
0x80: {  	[bflag:$0x2] =	sbarrier.arrive $0xFFFF  }
0x81: {  	s0 =	rddreg [dreg:$0x4]  }
0x82: {  	s0 =	sadd.s32 @!p0 $0x100000, s0  }
0x83: {  	[sflag:s0] =	ssyncadd.tile.s32 @!p0 $0x1;
	_ =	shalt  }
.Lfunc_end2:
_tile_overlayer_lowered:
.L_overlay_start_2:
0x84: {  	(tag) =	ssettag $0x2  }
0x85: {  	s0 =	rddreg [dreg:$0x0];
	s2 =	stileid.u32  }
0x86: {  	s1 =	rddreg [dreg:$0x1];
	p0 =	sne.s32 s2, $0x0  }
0x87: {  	s3 =	rddreg [dreg:$0x2];
	[bflag:$0x3] =	sbarrier.arrive $0xFFFF;
	s2 =	simm.s32 @!p0 $0x1C09  }
0x88: {  	[timem:s3], [sflag:s2] =	dma.local @!p0 [hbm:s0], s1  }
0x89: {  	s0 =	simm.s32 @!p0 $0x9  }
0x8a: {  	_ =	swait.ge @!p0 [sflag:s0], s1  }
0x8b: {  	s1 =	ssub.s32 @!p0 $0x0, s1;
	[sflag:s0] =	ssyncset.done @!p0 $0x0  }
0x8c: {  	[sflag:s0] =	ssyncadd.s32 @!p0 s1  }
0x8d: {  	[bflag:$0x3] =	sbarrier.arrive $0xFFFF  }
0x8e: {  	_ =	shalt  }

</sc_bundles>
